<compile_context>
chip_gen: v7x
topology: tpu7x:2x2x1
jax: 0.10.2.dev20260603
libtpu: 0.0.44.dev20260713+nightly
codegen_flags: <defaults>
</compile_context>

<pallas_src>
import functools

import jax
import jax.numpy as jnp
from jax import lax
from jax.experimental import pallas as pl
from jax.experimental.pallas import tpu as pltpu
from jax.experimental.pallas import tpu_sc as plsc

_F = 26
_V = 100000
_D = 32
_B = 16384

_NC = 2
_NS = 16
_NW = _NC * _NS

_R = _F * _D
_RPW = _R // _NW
_VEC = 16
_UNROLL = 8
_NITER = _B // (_VEC * _UNROLL)


def _make_kernel():
    mesh = plsc.VectorSubcoreMesh(core_axis_name="c", subcore_axis_name="s")

    @functools.partial(
        pl.kernel,
        mesh=mesh,
        out_type=jax.ShapeDtypeStruct((_R, _B), jnp.float32),
        compiler_params=pltpu.CompilerParams(
            use_tc_tiling_on_sc=False, needs_layout_passes=False),
        scratch_types=[
            pltpu.VMEM((_V,), jnp.float32),
            pltpu.VMEM((_B,), jnp.float32),
            pltpu.VMEM((_B // 2,), jnp.float32),
            pltpu.SemaphoreType.DMA,
        ],
    )
    def emb(tv_hbm, x_hbm, out_hbm, row_v, x_v, o_v, sem_r):
        wid = lax.axis_index("s") * _NC + lax.axis_index("c")
        r0 = wid * _RPW

        def row_body(rl, f_prev):
            r = r0 + rl
            f = r // _D
            cp_r = pltpu.async_copy(tv_hbm.at[r], row_v, sem_r)

            @pl.when(f != f_prev)
            def _():
                pltpu.sync_copy(x_hbm.at[pl.ds(f * _B, _B)], x_v)

            cp_r.wait()

            for h in range(2):
                def gather_body(i, c2, h=h):
                    base = h * (_B // 2) + i * (_VEC * _UNROLL)
                    obase = i * (_VEC * _UNROLL)
                    for u in range(_UNROLL):
                        sl = pl.ds(base + u * _VEC, _VEC)
                        osl = pl.ds(obase + u * _VEC, _VEC)
                        xi = plsc.bitcast(x_v[sl], jnp.int32)
                        o_v[osl] = plsc.load_gather(row_v, [xi])
                    return c2

                lax.fori_loop(0, _NITER // 2, gather_body, 0)
                pltpu.sync_copy(
                    o_v, out_hbm.at[r, pl.ds(h * (_B // 2), _B // 2)])
            return f

        lax.fori_loop(0, _RPW, row_body, -1)

    return emb


_emb_kernel = _make_kernel()


def kernel(X, tables):
    tv = jnp.transpose(tables, (0, 2, 1)).reshape(_R, _V)
    xt = jnp.transpose(X.astype(jnp.int32), (1, 0)).reshape(_F * _B)
    xf = lax.bitcast_convert_type(xt, jnp.float32)
    out = _emb_kernel(tv, xf)
    return jnp.transpose(out.reshape(_F, _D, _B), (2, 0, 1))

# --- scband reference (transcript-rebuilt; emitter-appended) ---
"""Pipeline reference for scband-feature-embedding-35390530519973 (READ-ONLY COPY).

The authoritative reference and input builder live on the scoring server;
editing this copy changes nothing except your own understanding.
"""

import jax, jax.numpy as jnp
import numpy as np

NUM_FIELDS = 26
VOCAB = 100000
EMBED_DIM = 32
BATCH = 16384


def setup_inputs(seed: int = 0) -> dict:
    key = jax.random.key(seed)
    k1, k2 = jax.random.split(key)
    X = jax.random.randint(k1, (BATCH, NUM_FIELDS), 0, VOCAB)
    # one embedding table per field; all fields categorical (vocab_size > 1),
    # stacked into a single [F, V, D] tensor since vocab sizes are equal.
    tables = jax.random.normal(k2, (NUM_FIELDS, VOCAB, EMBED_DIM), dtype=jnp.float32) * 0.02
    return {"X": X, "tables": tables}


def reference(X, tables):
    # For each field i: embed X[:, i] with tables[i], then stack along dim=1
    # Equivalent to torch: stack([emb_i(X[:, i]) for i], dim=1) -> [B, F, D]
    F = tables.shape[0]
    field_idx = jnp.arange(F)[None, :]            # [1, F]
    out = tables[field_idx, X, :]                 # gather -> [B, F, D]
    return out

if __name__ == "__main__":
    import jax
    _d = setup_inputs()
    print(jax.jit(kernel)(*tuple(_d.values())))

</pallas_src>

<mosaic_0001>
#map = affine_map<(d0, d1) -> (0, 0)>
#map1 = affine_map<(d0, d1) -> (0)>
module attributes {stable_mosaic.version = 14 : i64} {
  func.func @emb(%arg0: i32, %arg1: i32, %arg2: memref<832x100000xf32, #tpu.memory_space<hbm>>, %arg3: memref<425984xf32, #tpu.memory_space<hbm>>, %arg4: memref<832x16384xf32, #tpu.memory_space<hbm>>, %arg5: memref<100000xf32, #tpu.memory_space<vmem>>, %arg6: memref<16384xf32, #tpu.memory_space<vmem>>, %arg7: memref<8192xf32, #tpu.memory_space<vmem>>, %arg8: memref<!tpu.dma_semaphore, #tpu.memory_space<semaphore_mem>>) attributes {dimension_semantics = [#tpu.dimension_semantics<core_parallel>, #tpu.dimension_semantics<subcore_parallel>], iteration_bounds = array<i64: 2, 16>, scalar_prefetch = 0 : i64, scratch_operands = 4 : i64, tpu.core_type = #tpu.core_type<sc_vector_subcore>, window_params = [{transform_indices = #map}, {transform_indices = #map1}, {transform_indices = #map}]} {
    %mul3A = arith.constant 2 : i32
    %mul3A_0 = arith.muli %arg1, %mul3A : i32
    %add3A = arith.addi %mul3A_0, %arg0 : i32
    %mul3A_1 = arith.constant 26 : i32
    %mul3A_2 = arith.muli %add3A, %mul3A_1 : i32
    %scan3A = arith.constant -1 : i32
    %scan3A_3 = arith.constant 0 : i32
    %scan3A_4 = arith.constant 26 : i32
    %scan3A_5 = arith.addi %scan3A_3, %scan3A_4 : i32
    %scan3A_6 = arith.constant 1 : i32
    %scan3A_7 = scf.for %scan3A_9 = %scan3A_3 to %scan3A_5 step %scan3A_6 iter_args(%scan3A_10 = %scan3A) -> (i32)  : i32 {
      %add3A_11 = arith.addi %mul3A_2, %scan3A_9 : i32
      %jit3A = arith.constant 32 : i32
      %div3A = arith.divsi %add3A_11, %jit3A : i32
      %sign3A = arith.constant 0 : i32
      %sign3A_12 = arith.cmpi sgt, %add3A_11, %sign3A : i32
      %sign3A_13 = arith.extui %sign3A_12 : i1 to i32
      %sign3A_14 = arith.constant 0 : i32
      %sign3A_15 = arith.cmpi slt, %add3A_11, %sign3A_14 : i32
      %sign3A_16 = arith.extui %sign3A_15 : i1 to i32
      %sign3A_17 = arith.subi %sign3A_13, %sign3A_16 : i32
      %sign3A_18 = arith.constant 0 : i32
      %sign3A_19 = arith.cmpi sgt, %jit3A, %sign3A_18 : i32
      %sign3A_20 = arith.extui %sign3A_19 : i1 to i32
      %sign3A_21 = arith.constant 0 : i32
      %sign3A_22 = arith.cmpi slt, %jit3A, %sign3A_21 : i32
      %sign3A_23 = arith.extui %sign3A_22 : i1 to i32
      %sign3A_24 = arith.subi %sign3A_20, %sign3A_23 : i32
      %ne3A = arith.cmpi ne, %sign3A_17, %sign3A_24 : i32
      %rem3A = arith.remsi %add3A_11, %jit3A : i32
      %ne3A_25 = arith.constant 0 : i32
      %ne3A_26 = arith.cmpi ne, %rem3A, %ne3A_25 : i32
      %and3A = arith.andi %ne3A, %ne3A_26 : i1
      %sub3A = arith.constant 1 : i32
      %sub3A_27 = arith.subi %div3A, %sub3A : i32
      %select_n3A = arith.select %and3A, %sub3A_27, %div3A : i32
      %dma_start3A = arith.constant 0 : i32
      %dma_start3A_28 = tpu.memref_slice %arg2[%add3A_11, %dma_start3A] : memref<832x100000xf32, #tpu.memory_space<hbm>> -> memref<1x100000xf32, #tpu.memory_space<hbm>>
      %dma_start3A_29 = tpu.memref_squeeze %dma_start3A_28 : memref<1x100000xf32, #tpu.memory_space<hbm>> -> memref<100000xf32, #tpu.memory_space<hbm>>
      %dma_start3A_30 = arith.constant 0 : i32
      %dma_start3A_31 = tpu.memref_slice %arg2[%add3A_11, %dma_start3A_30] : memref<832x100000xf32, #tpu.memory_space<hbm>> -> memref<1x100000xf32, #tpu.memory_space<hbm>>
      %dma_start3A_32 = tpu.memref_squeeze %dma_start3A_31 : memref<1x100000xf32, #tpu.memory_space<hbm>> -> memref<100000xf32, #tpu.memory_space<hbm>>
      tpu.enqueue_dma source(%dma_start3A_32 : memref<100000xf32, #tpu.memory_space<hbm>>) target(%arg5 : memref<100000xf32, #tpu.memory_space<vmem>>) target_semaphore(%arg8 : memref<!tpu.dma_semaphore, #tpu.memory_space<semaphore_mem>>)
      %ne3A_33 = arith.cmpi ne, %select_n3A, %scan3A_10 : i32
      %convert_element_type3A = arith.extui %ne3A_33 : i1 to i32
      %cond3A = arith.constant 0 : i32
      %cond3A_34 = arith.cmpi ne, %convert_element_type3A, %cond3A : i32
      scf.if %cond3A_34 {
        %mul3A_52 = arith.constant 16384 : i32
        %mul3A_53 = arith.muli %select_n3A, %mul3A_52 : i32
        "tpu.region"() ({
          %run_scoped3A = tpu.sem_alloc : memref<!tpu.dma_semaphore, #tpu.memory_space<semaphore_mem>>
          %dma_start3A_54 = tpu.memref_slice %arg3[%mul3A_53] : memref<425984xf32, #tpu.memory_space<hbm>> -> memref<16384xf32, #tpu.memory_space<hbm>>
          %dma_start3A_55 = tpu.memref_slice %arg3[%mul3A_53] : memref<425984xf32, #tpu.memory_space<hbm>> -> memref<16384xf32, #tpu.memory_space<hbm>>
          tpu.enqueue_dma source(%dma_start3A_55 : memref<16384xf32, #tpu.memory_space<hbm>>) target(%arg6 : memref<16384xf32, #tpu.memory_space<vmem>>) target_semaphore(%run_scoped3A : memref<!tpu.dma_semaphore, #tpu.memory_space<semaphore_mem>>)
          %dma_wait3A_56 = tpu.memref_slice %arg3[%mul3A_53] : memref<425984xf32, #tpu.memory_space<hbm>> -> memref<16384xf32, #tpu.memory_space<hbm>>
          %dma_wait3A_57 = tpu.memref_slice %arg3[%mul3A_53] : memref<425984xf32, #tpu.memory_space<hbm>> -> memref<16384xf32, #tpu.memory_space<hbm>>
          tpu.wait_dma2 semaphore(%run_scoped3A : memref<!tpu.dma_semaphore, #tpu.memory_space<semaphore_mem>>) src(%dma_wait3A_57 : memref<16384xf32, #tpu.memory_space<hbm>>) dst(%arg6 : memref<16384xf32, #tpu.memory_space<vmem>>)
          tpu.yield
        }) : () -> ()
      } else {
      }
      %dma_wait3A = arith.constant 0 : i32
      %dma_wait3A_35 = tpu.memref_slice %arg2[%add3A_11, %dma_wait3A] : memref<832x100000xf32, #tpu.memory_space<hbm>> -> memref<1x100000xf32, #tpu.memory_space<hbm>>
      %dma_wait3A_36 = tpu.memref_squeeze %dma_wait3A_35 : memref<1x100000xf32, #tpu.memory_space<hbm>> -> memref<100000xf32, #tpu.memory_space<hbm>>
      %dma_wait3A_37 = arith.constant 0 : i32
      %dma_wait3A_38 = tpu.memref_slice %arg2[%add3A_11, %dma_wait3A_37] : memref<832x100000xf32, #tpu.memory_space<hbm>> -> memref<1x100000xf32, #tpu.memory_space<hbm>>
      %dma_wait3A_39 = tpu.memref_squeeze %dma_wait3A_38 : memref<1x100000xf32, #tpu.memory_space<hbm>> -> memref<100000xf32, #tpu.memory_space<hbm>>
      tpu.wait_dma2 semaphore(%arg8 : memref<!tpu.dma_semaphore, #tpu.memory_space<semaphore_mem>>) src(%dma_wait3A_39 : memref<100000xf32, #tpu.memory_space<hbm>>) dst(%arg5 : memref<100000xf32, #tpu.memory_space<vmem>>)
      %scan3A_40 = arith.constant 0 : i32
      %scan3A_41 = arith.constant 0 : i32
      %scan3A_42 = arith.constant 64 : i32
      %scan3A_43 = arith.addi %scan3A_41, %scan3A_42 : i32
      %scan3A_44 = arith.constant 1 : i32
      scf.for %scan3A_52 = %scan3A_41 to %scan3A_43 step %scan3A_44  : i32 {
        %mul3A_53 = arith.constant 128 : i32
        %mul3A_54 = arith.muli %scan3A_52, %mul3A_53 : i32
        %add3A_55 = arith.constant 0 : i32
        %add3A_56 = arith.addi %add3A_55, %mul3A_54 : i32
        %mul3A_57 = arith.constant 128 : i32
        %mul3A_58 = arith.muli %scan3A_52, %mul3A_57 : i32
        %add3A_59 = arith.constant 0 : i32
        %add3A_60 = arith.addi %add3A_56, %add3A_59 : i32
        %add3A_61 = arith.constant 0 : i32
        %add3A_62 = arith.addi %mul3A_58, %add3A_61 : i32
        %get3A = arith.index_cast %add3A_60 : i32 to index
        %get3A_63 = tpu.vector_load %arg6[%get3A] {strides = array<i32>} : memref<16384xf32, #tpu.memory_space<vmem>>, vector<16xf32>,
        %bitcast3A = vector.bitcast %get3A_63 : vector<16xf32> to vector<16xi32>
        %gather3A = tpu.vector_load_idx %arg5[%bitcast3A] : memref<100000xf32, #tpu.memory_space<vmem>>[vector<16xi32>], vector<16xf32>,
        %swap3A = arith.index_cast %add3A_62 : i32 to index
        %swap3A_64 = tpu.vector_load %arg7[%swap3A] {strides = array<i32>} : memref<8192xf32, #tpu.memory_space<vmem>>, vector<16xf32>,
        tpu.vector_store %arg7[%swap3A], %gather3A {strides = array<i32>} : memref<8192xf32, #tpu.memory_space<vmem>>, vector<16xf32>,
        %add3A_65 = arith.constant 16 : i32
        %add3A_66 = arith.addi %add3A_56, %add3A_65 : i32
        %add3A_67 = arith.constant 16 : i32
        %add3A_68 = arith.addi %mul3A_58, %add3A_67 : i32
        %get3A_69 = arith.index_cast %add3A_66 : i32 to index
        %get3A_70 = tpu.vector_load %arg6[%get3A_69] {strides = array<i32>} : memref<16384xf32, #tpu.memory_space<vmem>>, vector<16xf32>,
        %bitcast3A_71 = vector.bitcast %get3A_70 : vector<16xf32> to vector<16xi32>
        %gather3A_72 = tpu.vector_load_idx %arg5[%bitcast3A_71] : memref<100000xf32, #tpu.memory_space<vmem>>[vector<16xi32>], vector<16xf32>,
        %swap3A_73 = arith.index_cast %add3A_68 : i32 to index
        %swap3A_74 = tpu.vector_load %arg7[%swap3A_73] {strides = array<i32>} : memref<8192xf32, #tpu.memory_space<vmem>>, vector<16xf32>,
        tpu.vector_store %arg7[%swap3A_73], %gather3A_72 {strides = array<i32>} : memref<8192xf32, #tpu.memory_space<vmem>>, vector<16xf32>,
        %add3A_75 = arith.constant 32 : i32
        %add3A_76 = arith.addi %add3A_56, %add3A_75 : i32
        %add3A_77 = arith.constant 32 : i32
        %add3A_78 = arith.addi %mul3A_58, %add3A_77 : i32
        %get3A_79 = arith.index_cast %add3A_76 : i32 to index
        %get3A_80 = tpu.vector_load %arg6[%get3A_79] {strides = array<i32>} : memref<16384xf32, #tpu.memory_space<vmem>>, vector<16xf32>,
        %bitcast3A_81 = vector.bitcast %get3A_80 : vector<16xf32> to vector<16xi32>
        %gather3A_82 = tpu.vector_load_idx %arg5[%bitcast3A_81] : memref<100000xf32, #tpu.memory_space<vmem>>[vector<16xi32>], vector<16xf32>,
        %swap3A_83 = arith.index_cast %add3A_78 : i32 to index
        %swap3A_84 = tpu.vector_load %arg7[%swap3A_83] {strides = array<i32>} : memref<8192xf32, #tpu.memory_space<vmem>>, vector<16xf32>,
        tpu.vector_store %arg7[%swap3A_83], %gather3A_82 {strides = array<i32>} : memref<8192xf32, #tpu.memory_space<vmem>>, vector<16xf32>,
        %add3A_85 = arith.constant 48 : i32
        %add3A_86 = arith.addi %add3A_56, %add3A_85 : i32
        %add3A_87 = arith.constant 48 : i32
        %add3A_88 = arith.addi %mul3A_58, %add3A_87 : i32
        %get3A_89 = arith.index_cast %add3A_86 : i32 to index
        %get3A_90 = tpu.vector_load %arg6[%get3A_89] {strides = array<i32>} : memref<16384xf32, #tpu.memory_space<vmem>>, vector<16xf32>,
        %bitcast3A_91 = vector.bitcast %get3A_90 : vector<16xf32> to vector<16xi32>
        %gather3A_92 = tpu.vector_load_idx %arg5[%bitcast3A_91] : memref<100000xf32, #tpu.memory_space<vmem>>[vector<16xi32>], vector<16xf32>,
        %swap3A_93 = arith.index_cast %add3A_88 : i32 to index
        %swap3A_94 = tpu.vector_load %arg7[%swap3A_93] {strides = array<i32>} : memref<8192xf32, #tpu.memory_space<vmem>>, vector<16xf32>,
        tpu.vector_store %arg7[%swap3A_93], %gather3A_92 {strides = array<i32>} : memref<8192xf32, #tpu.memory_space<vmem>>, vector<16xf32>,
        %add3A_95 = arith.constant 64 : i32
        %add3A_96 = arith.addi %add3A_56, %add3A_95 : i32
        %add3A_97 = arith.constant 64 : i32
        %add3A_98 = arith.addi %mul3A_58, %add3A_97 : i32
        %get3A_99 = arith.index_cast %add3A_96 : i32 to index
        %get3A_100 = tpu.vector_load %arg6[%get3A_99] {strides = array<i32>} : memref<16384xf32, #tpu.memory_space<vmem>>, vector<16xf32>,
        %bitcast3A_101 = vector.bitcast %get3A_100 : vector<16xf32> to vector<16xi32>
        %gather3A_102 = tpu.vector_load_idx %arg5[%bitcast3A_101] : memref<100000xf32, #tpu.memory_space<vmem>>[vector<16xi32>], vector<16xf32>,
        %swap3A_103 = arith.index_cast %add3A_98 : i32 to index
        %swap3A_104 = tpu.vector_load %arg7[%swap3A_103] {strides = array<i32>} : memref<8192xf32, #tpu.memory_space<vmem>>, vector<16xf32>,
        tpu.vector_store %arg7[%swap3A_103], %gather3A_102 {strides = array<i32>} : memref<8192xf32, #tpu.memory_space<vmem>>, vector<16xf32>,
        %add3A_105 = arith.constant 80 : i32
        %add3A_106 = arith.addi %add3A_56, %add3A_105 : i32
        %add3A_107 = arith.constant 80 : i32
        %add3A_108 = arith.addi %mul3A_58, %add3A_107 : i32
        %get3A_109 = arith.index_cast %add3A_106 : i32 to index
        %get3A_110 = tpu.vector_load %arg6[%get3A_109] {strides = array<i32>} : memref<16384xf32, #tpu.memory_space<vmem>>, vector<16xf32>,
        %bitcast3A_111 = vector.bitcast %get3A_110 : vector<16xf32> to vector<16xi32>
        %gather3A_112 = tpu.vector_load_idx %arg5[%bitcast3A_111] : memref<100000xf32, #tpu.memory_space<vmem>>[vector<16xi32>], vector<16xf32>,
        %swap3A_113 = arith.index_cast %add3A_108 : i32 to index
        %swap3A_114 = tpu.vector_load %arg7[%swap3A_113] {strides = array<i32>} : memref<8192xf32, #tpu.memory_space<vmem>>, vector<16xf32>,
        tpu.vector_store %arg7[%swap3A_113], %gather3A_112 {strides = array<i32>} : memref<8192xf32, #tpu.memory_space<vmem>>, vector<16xf32>,
        %add3A_115 = arith.constant 96 : i32
        %add3A_116 = arith.addi %add3A_56, %add3A_115 : i32
        %add3A_117 = arith.constant 96 : i32
        %add3A_118 = arith.addi %mul3A_58, %add3A_117 : i32
        %get3A_119 = arith.index_cast %add3A_116 : i32 to index
        %get3A_120 = tpu.vector_load %arg6[%get3A_119] {strides = array<i32>} : memref<16384xf32, #tpu.memory_space<vmem>>, vector<16xf32>,
        %bitcast3A_121 = vector.bitcast %get3A_120 : vector<16xf32> to vector<16xi32>
        %gather3A_122 = tpu.vector_load_idx %arg5[%bitcast3A_121] : memref<100000xf32, #tpu.memory_space<vmem>>[vector<16xi32>], vector<16xf32>,
        %swap3A_123 = arith.index_cast %add3A_118 : i32 to index
        %swap3A_124 = tpu.vector_load %arg7[%swap3A_123] {strides = array<i32>} : memref<8192xf32, #tpu.memory_space<vmem>>, vector<16xf32>,
        tpu.vector_store %arg7[%swap3A_123], %gather3A_122 {strides = array<i32>} : memref<8192xf32, #tpu.memory_space<vmem>>, vector<16xf32>,
        %add3A_125 = arith.constant 112 : i32
        %add3A_126 = arith.addi %add3A_56, %add3A_125 : i32
        %add3A_127 = arith.constant 112 : i32
        %add3A_128 = arith.addi %mul3A_58, %add3A_127 : i32
        %get3A_129 = arith.index_cast %add3A_126 : i32 to index
        %get3A_130 = tpu.vector_load %arg6[%get3A_129] {strides = array<i32>} : memref<16384xf32, #tpu.memory_space<vmem>>, vector<16xf32>,
        %bitcast3A_131 = vector.bitcast %get3A_130 : vector<16xf32> to vector<16xi32>
        %gather3A_132 = tpu.vector_load_idx %arg5[%bitcast3A_131] : memref<100000xf32, #tpu.memory_space<vmem>>[vector<16xi32>], vector<16xf32>,
        %swap3A_133 = arith.index_cast %add3A_128 : i32 to index
        %swap3A_134 = tpu.vector_load %arg7[%swap3A_133] {strides = array<i32>} : memref<8192xf32, #tpu.memory_space<vmem>>, vector<16xf32>,
        tpu.vector_store %arg7[%swap3A_133], %gather3A_132 {strides = array<i32>} : memref<8192xf32, #tpu.memory_space<vmem>>, vector<16xf32>,
      }
      %scan3A_45 = arith.constant 64 : i32
      "tpu.region"() ({
        %run_scoped3A = tpu.sem_alloc : memref<!tpu.dma_semaphore, #tpu.memory_space<semaphore_mem>>
        %dma_start3A_52 = arith.constant 0 : i32
        %dma_start3A_53 = tpu.memref_slice %arg4[%add3A_11, %dma_start3A_52] : memref<832x16384xf32, #tpu.memory_space<hbm>> -> memref<1x8192xf32, #tpu.memory_space<hbm>>
        %dma_start3A_54 = tpu.memref_squeeze %dma_start3A_53 : memref<1x8192xf32, #tpu.memory_space<hbm>> -> memref<8192xf32, #tpu.memory_space<hbm>>
        %dma_start3A_55 = arith.constant 0 : i32
        %dma_start3A_56 = tpu.memref_slice %arg4[%add3A_11, %dma_start3A_55] : memref<832x16384xf32, #tpu.memory_space<hbm>> -> memref<1x8192xf32, #tpu.memory_space<hbm>>
        %dma_start3A_57 = tpu.memref_squeeze %dma_start3A_56 : memref<1x8192xf32, #tpu.memory_space<hbm>> -> memref<8192xf32, #tpu.memory_space<hbm>>
        tpu.enqueue_dma source(%arg7 : memref<8192xf32, #tpu.memory_space<vmem>>) target(%dma_start3A_57 : memref<8192xf32, #tpu.memory_space<hbm>>) target_semaphore(%run_scoped3A : memref<!tpu.dma_semaphore, #tpu.memory_space<semaphore_mem>>)
        %dma_wait3A_58 = arith.constant 0 : i32
        %dma_wait3A_59 = tpu.memref_slice %arg4[%add3A_11, %dma_wait3A_58] : memref<832x16384xf32, #tpu.memory_space<hbm>> -> memref<1x8192xf32, #tpu.memory_space<hbm>>
        %dma_wait3A_60 = tpu.memref_squeeze %dma_wait3A_59 : memref<1x8192xf32, #tpu.memory_space<hbm>> -> memref<8192xf32, #tpu.memory_space<hbm>>
        %dma_wait3A_61 = arith.constant 0 : i32
        %dma_wait3A_62 = tpu.memref_slice %arg4[%add3A_11, %dma_wait3A_61] : memref<832x16384xf32, #tpu.memory_space<hbm>> -> memref<1x8192xf32, #tpu.memory_space<hbm>>
        %dma_wait3A_63 = tpu.memref_squeeze %dma_wait3A_62 : memref<1x8192xf32, #tpu.memory_space<hbm>> -> memref<8192xf32, #tpu.memory_space<hbm>>
        tpu.wait_dma2 semaphore(%run_scoped3A : memref<!tpu.dma_semaphore, #tpu.memory_space<semaphore_mem>>) src(%arg7 : memref<8192xf32, #tpu.memory_space<vmem>>) dst(%dma_wait3A_63 : memref<8192xf32, #tpu.memory_space<hbm>>)
        tpu.yield
      }) : () -> ()
      %scan3A_46 = arith.constant 0 : i32
      %scan3A_47 = arith.constant 0 : i32
      %scan3A_48 = arith.constant 64 : i32
      %scan3A_49 = arith.addi %scan3A_47, %scan3A_48 : i32
      %scan3A_50 = arith.constant 1 : i32
      scf.for %scan3A_52 = %scan3A_47 to %scan3A_49 step %scan3A_50  : i32 {
        %mul3A_53 = arith.constant 128 : i32
        %mul3A_54 = arith.muli %scan3A_52, %mul3A_53 : i32
        %add3A_55 = arith.constant 8192 : i32
        %add3A_56 = arith.addi %add3A_55, %mul3A_54 : i32
        %mul3A_57 = arith.constant 128 : i32
        %mul3A_58 = arith.muli %scan3A_52, %mul3A_57 : i32
        %add3A_59 = arith.constant 0 : i32
        %add3A_60 = arith.addi %add3A_56, %add3A_59 : i32
        %add3A_61 = arith.constant 0 : i32
        %add3A_62 = arith.addi %mul3A_58, %add3A_61 : i32
        %get3A = arith.index_cast %add3A_60 : i32 to index
        %get3A_63 = tpu.vector_load %arg6[%get3A] {strides = array<i32>} : memref<16384xf32, #tpu.memory_space<vmem>>, vector<16xf32>,
        %bitcast3A = vector.bitcast %get3A_63 : vector<16xf32> to vector<16xi32>
        %gather3A = tpu.vector_load_idx %arg5[%bitcast3A] : memref<100000xf32, #tpu.memory_space<vmem>>[vector<16xi32>], vector<16xf32>,
        %swap3A = arith.index_cast %add3A_62 : i32 to index
        %swap3A_64 = tpu.vector_load %arg7[%swap3A] {strides = array<i32>} : memref<8192xf32, #tpu.memory_space<vmem>>, vector<16xf32>,
        tpu.vector_store %arg7[%swap3A], %gather3A {strides = array<i32>} : memref<8192xf32, #tpu.memory_space<vmem>>, vector<16xf32>,
        %add3A_65 = arith.constant 16 : i32
        %add3A_66 = arith.addi %add3A_56, %add3A_65 : i32
        %add3A_67 = arith.constant 16 : i32
        %add3A_68 = arith.addi %mul3A_58, %add3A_67 : i32
        %get3A_69 = arith.index_cast %add3A_66 : i32 to index
        %get3A_70 = tpu.vector_load %arg6[%get3A_69] {strides = array<i32>} : memref<16384xf32, #tpu.memory_space<vmem>>, vector<16xf32>,
        %bitcast3A_71 = vector.bitcast %get3A_70 : vector<16xf32> to vector<16xi32>
        %gather3A_72 = tpu.vector_load_idx %arg5[%bitcast3A_71] : memref<100000xf32, #tpu.memory_space<vmem>>[vector<16xi32>], vector<16xf32>,
        %swap3A_73 = arith.index_cast %add3A_68 : i32 to index
        %swap3A_74 = tpu.vector_load %arg7[%swap3A_73] {strides = array<i32>} : memref<8192xf32, #tpu.memory_space<vmem>>, vector<16xf32>,
        tpu.vector_store %arg7[%swap3A_73], %gather3A_72 {strides = array<i32>} : memref<8192xf32, #tpu.memory_space<vmem>>, vector<16xf32>,
        %add3A_75 = arith.constant 32 : i32
        %add3A_76 = arith.addi %add3A_56, %add3A_75 : i32
        %add3A_77 = arith.constant 32 : i32
        %add3A_78 = arith.addi %mul3A_58, %add3A_77 : i32
        %get3A_79 = arith.index_cast %add3A_76 : i32 to index
        %get3A_80 = tpu.vector_load %arg6[%get3A_79] {strides = array<i32>} : memref<16384xf32, #tpu.memory_space<vmem>>, vector<16xf32>,
        %bitcast3A_81 = vector.bitcast %get3A_80 : vector<16xf32> to vector<16xi32>
        %gather3A_82 = tpu.vector_load_idx %arg5[%bitcast3A_81] : memref<100000xf32, #tpu.memory_space<vmem>>[vector<16xi32>], vector<16xf32>,
        %swap3A_83 = arith.index_cast %add3A_78 : i32 to index
        %swap3A_84 = tpu.vector_load %arg7[%swap3A_83] {strides = array<i32>} : memref<8192xf32, #tpu.memory_space<vmem>>, vector<16xf32>,
        tpu.vector_store %arg7[%swap3A_83], %gather3A_82 {strides = array<i32>} : memref<8192xf32, #tpu.memory_space<vmem>>, vector<16xf32>,
        %add3A_85 = arith.constant 48 : i32
        %add3A_86 = arith.addi %add3A_56, %add3A_85 : i32
        %add3A_87 = arith.constant 48 : i32
        %add3A_88 = arith.addi %mul3A_58, %add3A_87 : i32
        %get3A_89 = arith.index_cast %add3A_86 : i32 to index
        %get3A_90 = tpu.vector_load %arg6[%get3A_89] {strides = array<i32>} : memref<16384xf32, #tpu.memory_space<vmem>>, vector<16xf32>,
        %bitcast3A_91 = vector.bitcast %get3A_90 : vector<16xf32> to vector<16xi32>
        %gather3A_92 = tpu.vector_load_idx %arg5[%bitcast3A_91] : memref<100000xf32, #tpu.memory_space<vmem>>[vector<16xi32>], vector<16xf32>,
        %swap3A_93 = arith.index_cast %add3A_88 : i32 to index
        %swap3A_94 = tpu.vector_load %arg7[%swap3A_93] {strides = array<i32>} : memref<8192xf32, #tpu.memory_space<vmem>>, vector<16xf32>,
        tpu.vector_store %arg7[%swap3A_93], %gather3A_92 {strides = array<i32>} : memref<8192xf32, #tpu.memory_space<vmem>>, vector<16xf32>,
        %add3A_95 = arith.constant 64 : i32
        %add3A_96 = arith.addi %add3A_56, %add3A_95 : i32
        %add3A_97 = arith.constant 64 : i32
        %add3A_98 = arith.addi %mul3A_58, %add3A_97 : i32
        %get3A_99 = arith.index_cast %add3A_96 : i32 to index
        %get3A_100 = tpu.vector_load %arg6[%get3A_99] {strides = array<i32>} : memref<16384xf32, #tpu.memory_space<vmem>>, vector<16xf32>,
        %bitcast3A_101 = vector.bitcast %get3A_100 : vector<16xf32> to vector<16xi32>
        %gather3A_102 = tpu.vector_load_idx %arg5[%bitcast3A_101] : memref<100000xf32, #tpu.memory_space<vmem>>[vector<16xi32>], vector<16xf32>,
        %swap3A_103 = arith.index_cast %add3A_98 : i32 to index
        %swap3A_104 = tpu.vector_load %arg7[%swap3A_103] {strides = array<i32>} : memref<8192xf32, #tpu.memory_space<vmem>>, vector<16xf32>,
        tpu.vector_store %arg7[%swap3A_103], %gather3A_102 {strides = array<i32>} : memref<8192xf32, #tpu.memory_space<vmem>>, vector<16xf32>,
        %add3A_105 = arith.constant 80 : i32
        %add3A_106 = arith.addi %add3A_56, %add3A_105 : i32
        %add3A_107 = arith.constant 80 : i32
        %add3A_108 = arith.addi %mul3A_58, %add3A_107 : i32
        %get3A_109 = arith.index_cast %add3A_106 : i32 to index
        %get3A_110 = tpu.vector_load %arg6[%get3A_109] {strides = array<i32>} : memref<16384xf32, #tpu.memory_space<vmem>>, vector<16xf32>,
        %bitcast3A_111 = vector.bitcast %get3A_110 : vector<16xf32> to vector<16xi32>
        %gather3A_112 = tpu.vector_load_idx %arg5[%bitcast3A_111] : memref<100000xf32, #tpu.memory_space<vmem>>[vector<16xi32>], vector<16xf32>,
        %swap3A_113 = arith.index_cast %add3A_108 : i32 to index
        %swap3A_114 = tpu.vector_load %arg7[%swap3A_113] {strides = array<i32>} : memref<8192xf32, #tpu.memory_space<vmem>>, vector<16xf32>,
        tpu.vector_store %arg7[%swap3A_113], %gather3A_112 {strides = array<i32>} : memref<8192xf32, #tpu.memory_space<vmem>>, vector<16xf32>,
        %add3A_115 = arith.constant 96 : i32
        %add3A_116 = arith.addi %add3A_56, %add3A_115 : i32
        %add3A_117 = arith.constant 96 : i32
        %add3A_118 = arith.addi %mul3A_58, %add3A_117 : i32
        %get3A_119 = arith.index_cast %add3A_116 : i32 to index
        %get3A_120 = tpu.vector_load %arg6[%get3A_119] {strides = array<i32>} : memref<16384xf32, #tpu.memory_space<vmem>>, vector<16xf32>,
        %bitcast3A_121 = vector.bitcast %get3A_120 : vector<16xf32> to vector<16xi32>
        %gather3A_122 = tpu.vector_load_idx %arg5[%bitcast3A_121] : memref<100000xf32, #tpu.memory_space<vmem>>[vector<16xi32>], vector<16xf32>,
        %swap3A_123 = arith.index_cast %add3A_118 : i32 to index
        %swap3A_124 = tpu.vector_load %arg7[%swap3A_123] {strides = array<i32>} : memref<8192xf32, #tpu.memory_space<vmem>>, vector<16xf32>,
        tpu.vector_store %arg7[%swap3A_123], %gather3A_122 {strides = array<i32>} : memref<8192xf32, #tpu.memory_space<vmem>>, vector<16xf32>,
        %add3A_125 = arith.constant 112 : i32
        %add3A_126 = arith.addi %add3A_56, %add3A_125 : i32
        %add3A_127 = arith.constant 112 : i32
        %add3A_128 = arith.addi %mul3A_58, %add3A_127 : i32
        %get3A_129 = arith.index_cast %add3A_126 : i32 to index
        %get3A_130 = tpu.vector_load %arg6[%get3A_129] {strides = array<i32>} : memref<16384xf32, #tpu.memory_space<vmem>>, vector<16xf32>,
        %bitcast3A_131 = vector.bitcast %get3A_130 : vector<16xf32> to vector<16xi32>
        %gather3A_132 = tpu.vector_load_idx %arg5[%bitcast3A_131] : memref<100000xf32, #tpu.memory_space<vmem>>[vector<16xi32>], vector<16xf32>,
        %swap3A_133 = arith.index_cast %add3A_128 : i32 to index
        %swap3A_134 = tpu.vector_load %arg7[%swap3A_133] {strides = array<i32>} : memref<8192xf32, #tpu.memory_space<vmem>>, vector<16xf32>,
        tpu.vector_store %arg7[%swap3A_133], %gather3A_132 {strides = array<i32>} : memref<8192xf32, #tpu.memory_space<vmem>>, vector<16xf32>,
      }
      %scan3A_51 = arith.constant 64 : i32
      "tpu.region"() ({
        %run_scoped3A = tpu.sem_alloc : memref<!tpu.dma_semaphore, #tpu.memory_space<semaphore_mem>>
        %dma_start3A_52 = arith.constant 8192 : i32
        %dma_start3A_53 = tpu.memref_slice %arg4[%add3A_11, %dma_start3A_52] : memref<832x16384xf32, #tpu.memory_space<hbm>> -> memref<1x8192xf32, #tpu.memory_space<hbm>>
        %dma_start3A_54 = tpu.memref_squeeze %dma_start3A_53 : memref<1x8192xf32, #tpu.memory_space<hbm>> -> memref<8192xf32, #tpu.memory_space<hbm>>
        %dma_start3A_55 = arith.constant 8192 : i32
        %dma_start3A_56 = tpu.memref_slice %arg4[%add3A_11, %dma_start3A_55] : memref<832x16384xf32, #tpu.memory_space<hbm>> -> memref<1x8192xf32, #tpu.memory_space<hbm>>
        %dma_start3A_57 = tpu.memref_squeeze %dma_start3A_56 : memref<1x8192xf32, #tpu.memory_space<hbm>> -> memref<8192xf32, #tpu.memory_space<hbm>>
        tpu.enqueue_dma source(%arg7 : memref<8192xf32, #tpu.memory_space<vmem>>) target(%dma_start3A_57 : memref<8192xf32, #tpu.memory_space<hbm>>) target_semaphore(%run_scoped3A : memref<!tpu.dma_semaphore, #tpu.memory_space<semaphore_mem>>)
        %dma_wait3A_58 = arith.constant 8192 : i32
        %dma_wait3A_59 = tpu.memref_slice %arg4[%add3A_11, %dma_wait3A_58] : memref<832x16384xf32, #tpu.memory_space<hbm>> -> memref<1x8192xf32, #tpu.memory_space<hbm>>
        %dma_wait3A_60 = tpu.memref_squeeze %dma_wait3A_59 : memref<1x8192xf32, #tpu.memory_space<hbm>> -> memref<8192xf32, #tpu.memory_space<hbm>>
        %dma_wait3A_61 = arith.constant 8192 : i32
        %dma_wait3A_62 = tpu.memref_slice %arg4[%add3A_11, %dma_wait3A_61] : memref<832x16384xf32, #tpu.memory_space<hbm>> -> memref<1x8192xf32, #tpu.memory_space<hbm>>
        %dma_wait3A_63 = tpu.memref_squeeze %dma_wait3A_62 : memref<1x8192xf32, #tpu.memory_space<hbm>> -> memref<8192xf32, #tpu.memory_space<hbm>>
        tpu.wait_dma2 semaphore(%run_scoped3A : memref<!tpu.dma_semaphore, #tpu.memory_space<semaphore_mem>>) src(%arg7 : memref<8192xf32, #tpu.memory_space<vmem>>) dst(%dma_wait3A_63 : memref<8192xf32, #tpu.memory_space<hbm>>)
        tpu.yield
      }) : () -> ()
      scf.yield %select_n3A : i32
    }
    %scan3A_8 = arith.constant 26 : i32
    return
  }
}

</mosaic_0001>

<sc_bundles>
// kernel: kernel.3.cloned.1.call-start
scs
__scs_entry_jumppad:
0x0: {  	(pc) =	sbr.rel $0x88, $3  }
0x1: {  	(tag) =	ssettag $0x0;
	lr =	simm.s32 $0x1  }
0x2: {  	[smem:$0x3F9F] =	sst lr;
	_ =	strace $0xD0000000  }
0x3: {  	_ = 	snop  }
0x4: {  	_ = 	snop  }
0x5: {  	_ = 	snop  }
0x6: {  	_ = 	snop  }
0x7: {  	_ = 	snop  }
__scs_overlays_trampoline_lowered:
0x8: {  	[smem:$0x3FAE] =	sst s0  }
0x9: {  	[smem:$0x3FAF] =	sst s1  }
0xa: {  	[smem:$0x3FB0] =	sst s2  }
0xb: {  	[smem:$0x3FB1] =	sst s3  }
0xc: {  	[smem:$0x3FB2] =	sst s4  }
0xd: {  	[smem:$0x3FB3] =	sst s5  }
0xe: {  	[smem:$0x3FB4] =	sst s6  }
0xf: {  	[smem:$0x3FB5] =	sst s7  }
0x10: {  	[smem:$0x3FB6] =	sst s8  }
0x11: {  	[smem:$0x3FB7] =	sst s9;
	s0 =	simm.s32 @!p0 $0x0  }
0x12: {  	s1 =	sld [smem:$0x3F9D];
	s0 =	simm.s32 @p0 $0x1  }
0x13: {  	[smem:$0x3FB8] =	sst s0;
	s0 =	simm.s32 @!p1 $0x0  }
0x14: {  	s2 =	sld [smem:$0x3F9C];
	s0 =	simm.s32 @p1 $0x1  }
0x15: {  	[smem:$0x3FB9] =	sst s0;
	s0 =	simm.s32 @!p2 $0x0  }
0x16: {  	s3 =	sld [smem:$0x3FDB];
	s0 =	simm.s32 @p2 $0x1  }
0x17: {  	s4 =	simm.s32 $0x1BF5;
	[smem:$0x3FBB] =	sst s0  }
0x18: {  	s0 =	sld [smem:$0x3F9E];
	_ =	swait.ge [sflag:s4], $0x0  }
0x19: {  	s7 =	sld [smem:$0x3F9F]  }
0x1a: {  	s8 =	sadd.s32 $0xFFFFE003, lr  }
0x1b: {  	s9 =	sadd.s32 $0xFFFFFEF7, lr;
	s5 =	simm.s32 $0xFFFFFFFF;
	p2 =	slt.u32 s8, $0xFFFFF086  }
0x1c: {  	p1 =	slt.u32 s9, $0xF7A;
	s5 =	simm.s32 @!p2 $0x0  }
0x1d: {  	s5 =	simm.s32 @p1 $0x1;
	p0 =	seq.s32 s7, s2  }
0x1e: {  	s7 =	smul.u32 @!p0 $0xF7A, s2;
	p2 =	seq.s32 @!p0 s5, $0x0  }
0x1f: {  	s9 =	smul.u32 $0xF7A, s1;
	s8 =	simm.s32 @!p0 $0x1BF5;
	p2 =	por !p2, p0  }
0x20: {  	[sflag:s8] =	ssyncset.s32 @!p0 $0xFFFFF086;
	s6 =	sadd.s32 @!p0 s3, s7;
	s7 =	simm.s32 @!p0 $0x108  }
0x21: {  	s3 =	sadd.s32 s3, s9;
	s6 =	sadd.s32 @!p0 $0x88, s6;
	s7 =	simm.s32 @p2 $0x1082  }
0x22: {  	[simem:s7], [sflag:s8] =	dma.local @!p0 [hbm:s6], $0xF7A  }
0x23: {  	s9 =	sor.u32 $0xD0000000, s2;
	s6 =	simm.s32 $0x108;
	_ =	swait.ge @!p0 [sflag:s8], $0x0  }
0x24: {  	s3 =	sadd.s32 $0x88, s3;
	s6 =	simm.s32 @!p1 $0x1082;
	[sflag:s4] =	ssyncset.s32 $0xFFFFF086  }
0x25: {  	[simem:s6], [sflag:s4] =	dma.local [hbm:s3], $0xF7A  }
0x26: {  	[smem:$0x3F9F] =	sst s1;
	(tag) =	ssettag s2;
	_ =	strace s9  }
0x27: {  	s1 =	sld [smem:$0x3FAF]  }
0x28: {  	s2 =	sld [smem:$0x3FB0]  }
0x29: {  	s4 =	sld [smem:$0x3FB2]  }
0x2a: {  	p0 =	seq.s32 s5, $0x0;
	s5 =	sld [smem:$0x3FB3]  }
0x2b: {  	s6 =	sld [smem:$0x3FB4]  }
0x2c: {  	s7 =	sld [smem:$0x3FB5]  }
0x2d: {  	s3 =	simm.s32 $0x108;
	s8 =	sld [smem:$0x3FB6]  }
0x2e: {  	s3 =	simm.s32 @!p0 $0x1082;
	s9 =	sld [smem:$0x3FB7]  }
0x2f: {  	lr =	sadd.s32 s0, s3;
	s0 =	sld [smem:$0x3FAE]  }
0x30: {  	s3 =	sld [smem:$0x3FB1]  }
0x31: {  	[smem:$0x3FBA] =	sst s10  }
0x32: {  	s10 =	sld [smem:$0x3FB8];
	_ =	sdelay $0x3  }
0x33: {  	p0 =	seq.s32 s10, $0x1;
	s10 =	sld [smem:$0x3FBA];
	_ =	sdelay $0x3  }
0x34: {  	[smem:$0x3FBA] =	sst s10  }
0x35: {  	s10 =	sld [smem:$0x3FB9];
	_ =	sdelay $0x3  }
0x36: {  	p1 =	seq.s32 s10, $0x1;
	s10 =	sld [smem:$0x3FBA];
	_ =	sdelay $0x3  }
0x37: {  	[smem:$0x3FBA] =	sst s10  }
0x38: {  	s10 =	sld [smem:$0x3FBB]  }
0x39: {  	_ = 	snop;
	(pc) =	sbr.ind lr, $3  }
0x3a: {  	_ = 	snop  }
0x3b: {  	_ = 	snop  }
0x3c: {  	p2 =	seq.s32 s10, $0x1;
	s10 =	sld [smem:$0x3FBA]  }
0x3d: {  	_ =	shalt  }
0x3e: {  	_ =	shalt  }
0x3f: {  	_ =	shalt  }
0x40: {  	_ =	shalt  }
0x41: {  	_ =	shalt  }
0x42: {  	_ =	shalt  }
0x43: {  	_ =	shalt  }
0x44: {  	_ =	shalt  }
0x45: {  	_ =	shalt  }
0x46: {  	_ =	shalt  }
0x47: {  	_ =	shalt  }
0x48: {  	_ =	shalt  }
0x49: {  	_ =	shalt  }
0x4a: {  	_ =	shalt  }
0x4b: {  	_ =	shalt  }
0x4c: {  	_ =	shalt  }
0x4d: {  	_ =	shalt  }
0x4e: {  	_ =	shalt  }
0x4f: {  	_ =	shalt  }
0x50: {  	_ =	shalt  }
0x51: {  	_ =	shalt  }
0x52: {  	_ =	shalt  }
0x53: {  	_ =	shalt  }
0x54: {  	_ =	shalt  }
0x55: {  	_ =	shalt  }
0x56: {  	_ =	shalt  }
0x57: {  	_ =	shalt  }
0x58: {  	_ =	shalt  }
0x59: {  	_ =	shalt  }
0x5a: {  	_ =	shalt  }
0x5b: {  	_ =	shalt  }
0x5c: {  	_ =	shalt  }
0x5d: {  	_ =	shalt  }
0x5e: {  	_ =	shalt  }
0x5f: {  	_ =	shalt  }
0x60: {  	_ =	shalt  }
0x61: {  	_ =	shalt  }
0x62: {  	_ =	shalt  }
0x63: {  	_ =	shalt  }
0x64: {  	_ =	shalt  }
0x65: {  	_ =	shalt  }
0x66: {  	_ =	shalt  }
0x67: {  	_ =	shalt  }
0x68: {  	_ =	shalt  }
0x69: {  	_ =	shalt  }
0x6a: {  	_ =	shalt  }
0x6b: {  	_ =	shalt  }
0x6c: {  	_ =	shalt  }
0x6d: {  	_ =	shalt  }
0x6e: {  	_ =	shalt  }
0x6f: {  	_ =	shalt  }
0x70: {  	_ =	shalt  }
0x71: {  	_ =	shalt  }
0x72: {  	_ =	shalt  }
0x73: {  	_ =	shalt  }
0x74: {  	_ =	shalt  }
0x75: {  	_ =	shalt  }
0x76: {  	_ =	shalt  }
0x77: {  	_ =	shalt  }
0x78: {  	_ =	shalt  }
0x79: {  	_ =	shalt  }
0x7a: {  	_ =	shalt  }
0x7b: {  	_ =	shalt  }
0x7c: {  	_ =	shalt  }
0x7d: {  	_ =	shalt  }
0x7e: {  	_ =	shalt  }
0x7f: {  	_ =	shalt  }
0x80: {  	_ =	shalt  }
0x81: {  	_ =	shalt  }
0x82: {  	_ =	shalt  }
0x83: {  	_ =	shalt  }
0x84: {  	_ =	shalt  }
0x85: {  	_ =	shalt  }
0x86: {  	_ =	shalt  }
0x87: {  	_ =	shalt  }
.Lfunc_end0:
.L_simem_size_0:
called_computation_lowered:
.L_overlay_start_0:
0x88: {  	s2 =	sld [smem:$0x3FD9]  }
0x89: {  	s3 =	sld [smem:$0x3FFE];
	_ =	sdelay $0x1  }
0x8a: {  	s1 =	srdreg.scid  }
0x8b: {  	s0 =	sand.u32 $0x1, s1  }
0x8c: {  	s17 =	sshll.u32 s0, $0xA;
	s2 =	sadd.s32 s3, s2  }
0x8d: {  	s2 =	sadd.s32 s2, s17  }
0x8e: {  	[smem:$0x3FC6] =	sst s2  }
0x8f: {  	_ = 	snop  }
0x90: {  	s2 =	sld [smem:$0x3FD0];
	(tm) =	ssettm $0x1  }
0x91: {  	s18 =	sld [smem:$0x3FFB];
	_ =	sdelay $0x3  }
0x92: {  	_ =	strace s18  }
0x93: {  	s3 =	sld [smem:$0x3FFC];
	_ =	sdelay $0x3  }
0x94: {  	_ =	strace s3  }
0x95: {  	s3 =	sld [smem:$0x3FFD];
	_ =	sdelay $0x3  }
0x96: {  	_ =	strace s3  }
0x97: {  	_ =	strace $0x8FFFFFFF  }
0x98: {  	s19 =	sld [smem:$0x3FDB];
	_ =	sdelay $0x1  }
0x99: {  	s4 =	simm.s32 $_scs_section_size  }
0x9a: {  	s5 =	simm.s32 $_size__tile_overlayer_lowered;
	s6 =	simm.s32 $_tile_overlayer_lowered  }
0x9b: {  	s22 =	simm.s32 $0x1BFF;
	s21 =	sshll.u32 s6, $0x1;
	s3 =	sadd.s32 s4, s19  }
0x9c: {  	s7 =	simm.s32 $0x0;
	s20 =	sshll.u32 s5, $0x1;
	s5 =	sadd.s32 s21, s3  }
0x9d: {  	[timem:s7], [sflag:s22] =	dma.local [hbm:s5], s20  }
0x9e: {  	_ =	swait.ge [sflag:s22], s20  }
0x9f: {  	s4 =	ssub.s32 $0x0, s20;
	[sflag:s22] =	ssyncset.done $0x0  }
0xa0: {  	[sflag:s22] =	ssyncadd.s32 s4;
	_ =	sdelay $0x1  }
0xa1: {  	s23 =	simm.s32 $0x1B8B  }
0xa2: {  	_ =	swait.ge [sflag:s23], $0x1  }
0xa3: {  	[sflag:s23] =	ssyncset.done $0x0  }
0xa4: {  	s25 =	simm.s32 $0x1B8E;
	s24 =	sld [smem:$0x3FFE];
	[sflag:s23] =	ssyncadd.s32 $0xFFFFFFFF  }
0xa5: {  	s26 =	simm.s32 $execute0_lowered;
	[smem:$0x3FD2] =	sst s25  }
0xa6: {  	s5 =	sshll.u32 s26, $0x1;
	_ =	strace $0x80000046;
	[dreg:$0x1] =	wrdreg $0xFFFFFFFF  }
0xa7: {  	s28 =	simm.s32 $_size_execute0_lowered;
	s3 =	sadd.s32 s3, s5;
	[dreg:$0x0] =	wrdreg $0x0  }
0xa8: {  	s5 =	sshll.u32 s28, $0x1;
	[dreg:$0x2] =	wrdreg s3  }
0xa9: {  	[dreg:$0x3] =	wrdreg s5  }
0xaa: {  	[dreg:$0x4] =	wrdreg $0xC0  }
0xab: {  	_ =	task [dreg:s7], $0x5FFFF  }
0xac: {  	[dreg:$0x1] =	wrdreg $0xFFFFFFFF  }
0xad: {  	[dreg:$0x0] =	wrdreg $0x60  }
0xae: {  	[dreg:$0x2] =	wrdreg s24  }
0xaf: {  	[dreg:$0x3] =	wrdreg s2  }
0xb0: {  	[dreg:$0x4] =	wrdreg $0x9  }
0xb1: {  	_ =	task.clear_ibuf [dreg:s7], $0x5FFFF;
	_ =	strace $0x90000046  }
0xb2: {  	s29 =	simm.s32 $0x9;
	_ =	strace $0x80000048  }
0xb3: {  	_ =	swait.ge [sflag:s29], $0x1  }
0xb4: {  	[sflag:s29] =	ssyncadd.s32 $0xFFFFFFFF  }
0xb5: {  	_ =	strace $0x90000048  }
0xb6: {  	_ =	sfence  }
0xb7: {  	s30 =	sld [smem:$0x0];
	_ =	sdelay $0x2  }
0xb8: {  	s31 =	sshll.u32 s1, $0xD;
	s1 =	sshrl.u32 s1, $0x2  }
0xb9: {  	s3 =	sand.u32 $0x4000, s31;
	s1 =	sadd.s32 s1, s30  }
0xba: {  	s0 =	sor.u32 s3, s0;
	s1 =	sshll.u32 s1, $0x11  }
0xbb: {  	s0 =	sor.u32 s1, s0  }
0xbc: {  	s0 =	sadd.s32 $0x8F2B, s0  }
0xbd: {  	[sflag:s0] =	ssyncadd.remote.s32 $0x1  }
0xbe: {  	_ =	sfence.sel $0xFFFF  }
0xbf: {  	[dreg:$0x0] =	wrdreg $0xFFFFFFFF;
	(pc) =	sbr.abs _section_cstart, $3  }
0xc0: {  	[dreg:$0x1] =	wrdreg $0xFFFFFFFF  }
0xc1: {  	_ =	task.clear_ibuf [dreg:s7], $0x2FFFF;
	_ =	strace $0x9FFFFFFF  }
0xc2: {  	(tm) =	ssettm $0x7FFFFFFF  }
0xc3: {  	_ =	shalt  }
tec
execute0_lowered:
.L_overlay_start_1:
0x0: {  	(tag) =	ssettag $0x1  }
0x1: {  	s7 =	rddreg [dreg:$0x0]  }
0x2: {  	s1 =	rddreg [dreg:$0x1]  }
0x3: {  	s0 =	rddreg [dreg:$0x2];
	s3 =	simm.s32 $0x0;
	s4 =	srdreg.scid  }
0x4: {  	s2 =	stileid.u32;
	s10 =	simm.s32 $0x1C6A0;
	s11 =	simm.s32 $0x2  }
0x5: {  	s12 =	simm.s32 $0x0;
	[smem:$0x7FF] =	sst s3;
	s5 =	sand.u32 $0x1, s4  }
0x6: {  	s8 =	sshll.u32 s2, $0x1;
	s4 =	sadd.s32 $0x400, s7;
	s6 =	ssub.s32 $0x2, s5  }
0x7: {  	_ =	strace $0x80000047;
	s8 =	sor.u32 s5, s8;
	s9 =	sshrl.u32 s6, $0x1  }
0x8: {  	s5 =	sadd.s32 $0x9EB600, s7;
	s7 =	sadd.s32 $0x9EBA00, s7;
	s9 =	ssub.s32 s6, s9  }
0x9: {  	s6 =	smul.u32 $0x1A, s8;
	s8 =	smax.u32 s9, $0x1;
	s9 =	simm.s32 $0x1  }
.LBB2_1:
0xa: {  	s13 =	simm.s32 $0xFFFFFFFF;
	s14 =	simm.s32 $0x0  }
.LBB2_2:
0xb: {  	s15 =	sadd.s32 s6, s14  }
0xc: {  	s16 =	smul.u32 $0x30D4, s15  }
0xd: {  	s17 =	smov.u32 s13;
	s13 =	sshrl.u32 s15, $0x5  }
0xe: {  	p0 =	seq.s32 s13, s17;
	s16 =	sadd.s32 s4, s16  }
0xf: {  	[tilespmem:s3], [sflag:$0x1] =	stream.linear.gather [hbm4b:s16+s3], $0x186A0, $0x38;
	[tilespmem:$0x1E6A0] =	vst v63  }
0x10: {  	s16 =	sshll.u32 @!p0 s13, $0xB  }
0x11: {  	s16 =	sand.u32 @!p0 $0x1FFFF800, s16  }
0x12: {  	s17 =	simm.s32 @!p0 $0x0;
	s18 =	simm.s32 @!p0 $0x186A0;
	s16 =	sadd.s32 @!p0 s1, s16  }
0x13: {  	[tilespmem:s18], [sflag:$0x2] =	stream.linear.gather @!p0 [hbm4b:s16+s17], $0x4000, $0x38;
	[tilespmem:$0x1E6A0] =	vst v63  }
0x14: {  	s16 =	simm.s32 @!p0 $0x2  }
0x15: {  	_ =	swait.ge @!p0 [sflag:s16], $0x4000  }
0x16: {  	[sflag:s16] =	ssyncset.done @!p0 $0x0  }
0x17: {  	[sflag:s16] =	ssyncadd.s32 @!p0 $0xFFFFC000  }
0x18: {  	_ =	swait.ge [sflag:s9], $0x186A0  }
0x19: {  	[sflag:s9] =	ssyncset.done $0x0  }
0x1a: {  	s16 =	simm.s32 $0x0;
	[sflag:s9] =	ssyncadd.s32 $0xFFFE7960  }
0x1b: {  	v0 =	vld [tilespmem:s16+$0x186A0];
	_ =	sdelay $0x5  }
0x1c: {  	v1 =	vld [tilespmem:s16+$0x186B0];
	_ =	sdelay $0x1  }
0x1d: {  	v0 =	vld.idx.msk [tilespmem:v0+s3+$0x0], $0xffff;
	_ =	sdelay $0x4  }
0x1e: {  	[tilespmem:s16+$0x1C6A0] =	vst v0;
	v0 =	vld [tilespmem:s16+$0x186C0]  }
0x1f: {  	v1 =	vld.idx.msk [tilespmem:v1+s3+$0x0], $0xffff;
	_ =	sdelay $0x4  }
0x20: {  	[tilespmem:s16+$0x1C6B0] =	vst v1;
	v1 =	vld [tilespmem:s16+$0x186D0];
	_ =	sdelay $0x1  }
0x21: {  	v0 =	vld.idx.msk [tilespmem:v0+s3+$0x0], $0xffff;
	_ =	sdelay $0x4  }
0x22: {  	[tilespmem:s16+$0x1C6C0] =	vst v0;
	v0 =	vld [tilespmem:s16+$0x186E0]  }
0x23: {  	v1 =	vld.idx.msk [tilespmem:v1+s3+$0x0], $0xffff;
	_ =	sdelay $0x4  }
0x24: {  	[tilespmem:s16+$0x1C6D0] =	vst v1;
	v1 =	vld [tilespmem:s16+$0x186F0];
	_ =	sdelay $0x1  }
0x25: {  	v0 =	vld.idx.msk [tilespmem:v0+s3+$0x0], $0xffff;
	_ =	sdelay $0x4  }
0x26: {  	v2 =	vld [tilespmem:s16+$0x18700];
	[tilespmem:s16+$0x1C6E0] =	vst v0  }
0x27: {  	v0 =	vld.idx.msk [tilespmem:v1+s3+$0x0], $0xffff;
	_ =	sdelay $0x4  }
0x28: {  	[tilespmem:s16+$0x1C6F0] =	vst v0;
	v0 =	vld [tilespmem:s16+$0x18710];
	_ =	sdelay $0x1  }
0x29: {  	v1 =	vld.idx.msk [tilespmem:v2+s3+$0x0], $0xffff;
	_ =	sdelay $0x3  }
0x2a: {  	s18 =	simm.s32 $0x80;
	s17 =	simm.s32 $0x400  }
.LBB2_3:
0x2b: {  	p0 =	sne.s32 s17, $0x7E00;
	v2 =	vld [tilespmem:s18+$0x186A0];
	[tilespmem:s16+$0x1C700] =	vst v1  }
0x2c: {  	v0 =	vld.idx.msk [tilespmem:v0+s3+$0x0], $0xffff;
	_ =	sdelay $0x5  }
0x2d: {  	v1 =	vld [tilespmem:s18+$0x186B0];
	[tilespmem:s16+$0x1C710] =	vst v0;
	s16 =	smov.u32 s18  }
0x2e: {  	v0 =	vld.idx.msk [tilespmem:v2+s3+$0x0], $0xffff;
	_ =	sdelay $0x5  }
0x2f: {  	[tilespmem:s16+$0x1C6A0] =	vst v0;
	v0 =	vld [tilespmem:s16+$0x186C0]  }
0x30: {  	v1 =	vld.idx.msk [tilespmem:v1+s3+$0x0], $0xffff;
	_ =	sdelay $0x5  }
0x31: {  	[tilespmem:s16+$0x1C6B0] =	vst v1;
	v1 =	vld [tilespmem:s16+$0x186D0]  }
0x32: {  	v0 =	vld.idx.msk [tilespmem:v0+s3+$0x0], $0xffff;
	_ =	sdelay $0x5  }
0x33: {  	[tilespmem:s16+$0x1C6C0] =	vst v0;
	v0 =	vld [tilespmem:s16+$0x186E0]  }
0x34: {  	v1 =	vld.idx.msk [tilespmem:v1+s3+$0x0], $0xffff;
	_ =	sdelay $0x5  }
0x35: {  	[tilespmem:s16+$0x1C6D0] =	vst v1;
	v1 =	vld [tilespmem:s16+$0x186F0]  }
0x36: {  	v0 =	vld.idx.msk [tilespmem:v0+s3+$0x0], $0xffff;
	_ =	sdelay $0x5  }
0x37: {  	[tilespmem:s16+$0x1C6E0] =	vst v0;
	v2 =	vld [tilespmem:s16+$0x18700]  }
0x38: {  	v0 =	vld.idx.msk [tilespmem:v1+s3+$0x0], $0xffff;
	_ =	sdelay $0x5  }
0x39: {  	[tilespmem:s16+$0x1C6F0] =	vst v0;
	v0 =	vld [tilespmem:s16+$0x18710]  }
0x3a: {  	v1 =	vld.idx.msk [tilespmem:v2+s3+$0x0], $0xffff  }
.Ltmp0:
0x3b: {  	(pc) =	sbr.rel @p0 .LBB2_3-.Ltmp0, $2  }
0x3c: {  	_ =	sdelay $0x2  }
0x3d: {  	s18 =	sshra.s32 s17, $0x2;
	s17 =	sadd.s32 $0x200, s17  }
0x3e: {  	_ =	sdelay $0x1  }
0x3f: {  	v2 =	vld [tilespmem:s18+$0x186A0]  }
0x40: {  	[tilespmem:s16+$0x1C700] =	vst v1  }
0x41: {  	v0 =	vld.idx.msk [tilespmem:v0+s3+$0x0], $0xffff;
	_ =	sdelay $0x3  }
0x42: {  	v1 =	vld [tilespmem:s18+$0x186B0]  }
0x43: {  	[tilespmem:s16+$0x1C710] =	vst v0  }
0x44: {  	v0 =	vld.idx.msk [tilespmem:v2+s3+$0x0], $0xffff;
	_ =	sdelay $0x4  }
0x45: {  	[tilespmem:s18+$0x1C6A0] =	vst v0;
	v0 =	vld [tilespmem:s18+$0x186C0]  }
0x46: {  	v1 =	vld.idx.msk [tilespmem:v1+s3+$0x0], $0xffff;
	_ =	sdelay $0x4  }
0x47: {  	[tilespmem:s18+$0x1C6B0] =	vst v1;
	v1 =	vld [tilespmem:s18+$0x186D0];
	_ =	sdelay $0x1  }
0x48: {  	v0 =	vld.idx.msk [tilespmem:v0+s3+$0x0], $0xffff;
	_ =	sdelay $0x4  }
0x49: {  	[tilespmem:s18+$0x1C6C0] =	vst v0;
	v0 =	vld [tilespmem:s18+$0x186E0]  }
0x4a: {  	v1 =	vld.idx.msk [tilespmem:v1+s3+$0x0], $0xffff;
	_ =	sdelay $0x4  }
0x4b: {  	[tilespmem:s18+$0x1C6D0] =	vst v1;
	v1 =	vld [tilespmem:s18+$0x186F0];
	_ =	sdelay $0x1  }
0x4c: {  	v0 =	vld.idx.msk [tilespmem:v0+s3+$0x0], $0xffff;
	_ =	sdelay $0x4  }
0x4d: {  	[tilespmem:s18+$0x1C6E0] =	vst v0;
	v0 =	vld [tilespmem:s18+$0x18700]  }
0x4e: {  	v1 =	vld.idx.msk [tilespmem:v1+s3+$0x0], $0xffff;
	_ =	sdelay $0x4  }
0x4f: {  	[tilespmem:s18+$0x1C6F0] =	vst v1;
	v1 =	vld [tilespmem:s18+$0x18710];
	_ =	sdelay $0x1  }
0x50: {  	v0 =	vld.idx.msk [tilespmem:v0+s3+$0x0], $0xffff;
	_ =	sdelay $0x4  }
0x51: {  	[tilespmem:s18+$0x1C700] =	vst v0  }
0x52: {  	v0 =	vld.idx.msk [tilespmem:v1+s3+$0x0], $0xffff;
	_ =	sdelay $0x3  }
0x53: {  	s15 =	sshll.u32 s15, $0xB  }
0x54: {  	s17 =	simm.s32 $0x0;
	s31 =	sadd.s32 s5, s15;
	[tilespmem:s18+$0x1C710] =	vst v0  }
0x55: {  	[hbm4b:s31+s17] =	stream.linear.scatter [tilespmem:s10], [sflag:$0x2], $0x2000, $0x38;
	[tilespmem:$0x1E6A0] =	vst v63  }
0x56: {  	_ =	swait.ge [sflag:s11], $0x2000  }
0x57: {  	[sflag:s11] =	ssyncset.done $0x0  }
0x58: {  	s16 =	simm.s32 $0x0;
	[sflag:s11] =	ssyncadd.s32 $0xFFFFE000  }
0x59: {  	v0 =	vld [tilespmem:s16+$0x1A6A0];
	_ =	sdelay $0x5  }
0x5a: {  	v1 =	vld [tilespmem:s16+$0x1A6B0];
	_ =	sdelay $0x1  }
0x5b: {  	v0 =	vld.idx.msk [tilespmem:v0+s3+$0x0], $0xffff;
	_ =	sdelay $0x4  }
0x5c: {  	[tilespmem:s16+$0x1C6A0] =	vst v0;
	v0 =	vld [tilespmem:s16+$0x1A6C0]  }
0x5d: {  	v1 =	vld.idx.msk [tilespmem:v1+s3+$0x0], $0xffff;
	_ =	sdelay $0x4  }
0x5e: {  	[tilespmem:s16+$0x1C6B0] =	vst v1;
	v1 =	vld [tilespmem:s16+$0x1A6D0];
	_ =	sdelay $0x1  }
0x5f: {  	v0 =	vld.idx.msk [tilespmem:v0+s3+$0x0], $0xffff;
	_ =	sdelay $0x4  }
0x60: {  	[tilespmem:s16+$0x1C6C0] =	vst v0;
	v0 =	vld [tilespmem:s16+$0x1A6E0]  }
0x61: {  	v1 =	vld.idx.msk [tilespmem:v1+s3+$0x0], $0xffff;
	_ =	sdelay $0x4  }
0x62: {  	[tilespmem:s16+$0x1C6D0] =	vst v1;
	v1 =	vld [tilespmem:s16+$0x1A6F0];
	_ =	sdelay $0x1  }
0x63: {  	v0 =	vld.idx.msk [tilespmem:v0+s3+$0x0], $0xffff;
	_ =	sdelay $0x4  }
0x64: {  	v2 =	vld [tilespmem:s16+$0x1A700];
	[tilespmem:s16+$0x1C6E0] =	vst v0  }
0x65: {  	v0 =	vld.idx.msk [tilespmem:v1+s3+$0x0], $0xffff;
	_ =	sdelay $0x4  }
0x66: {  	[tilespmem:s16+$0x1C6F0] =	vst v0;
	v0 =	vld [tilespmem:s16+$0x1A710];
	_ =	sdelay $0x1  }
0x67: {  	v1 =	vld.idx.msk [tilespmem:v2+s3+$0x0], $0xffff;
	_ =	sdelay $0x3  }
0x68: {  	s18 =	simm.s32 $0x80;
	s17 =	simm.s32 $0x400  }
.LBB2_5:
0x69: {  	p0 =	sne.s32 s17, $0x7E00;
	v2 =	vld [tilespmem:s18+$0x1A6A0];
	[tilespmem:s16+$0x1C700] =	vst v1  }
0x6a: {  	v0 =	vld.idx.msk [tilespmem:v0+s3+$0x0], $0xffff;
	_ =	sdelay $0x5  }
0x6b: {  	v1 =	vld [tilespmem:s18+$0x1A6B0];
	[tilespmem:s16+$0x1C710] =	vst v0;
	s16 =	smov.u32 s18  }
0x6c: {  	v0 =	vld.idx.msk [tilespmem:v2+s3+$0x0], $0xffff;
	_ =	sdelay $0x5  }
0x6d: {  	[tilespmem:s16+$0x1C6A0] =	vst v0;
	v0 =	vld [tilespmem:s16+$0x1A6C0]  }
0x6e: {  	v1 =	vld.idx.msk [tilespmem:v1+s3+$0x0], $0xffff;
	_ =	sdelay $0x5  }
0x6f: {  	[tilespmem:s16+$0x1C6B0] =	vst v1;
	v1 =	vld [tilespmem:s16+$0x1A6D0]  }
0x70: {  	v0 =	vld.idx.msk [tilespmem:v0+s3+$0x0], $0xffff;
	_ =	sdelay $0x5  }
0x71: {  	[tilespmem:s16+$0x1C6C0] =	vst v0;
	v0 =	vld [tilespmem:s16+$0x1A6E0]  }
0x72: {  	v1 =	vld.idx.msk [tilespmem:v1+s3+$0x0], $0xffff;
	_ =	sdelay $0x5  }
0x73: {  	[tilespmem:s16+$0x1C6D0] =	vst v1;
	v1 =	vld [tilespmem:s16+$0x1A6F0]  }
0x74: {  	v0 =	vld.idx.msk [tilespmem:v0+s3+$0x0], $0xffff;
	_ =	sdelay $0x5  }
0x75: {  	[tilespmem:s16+$0x1C6E0] =	vst v0;
	v2 =	vld [tilespmem:s16+$0x1A700]  }
0x76: {  	v0 =	vld.idx.msk [tilespmem:v1+s3+$0x0], $0xffff;
	_ =	sdelay $0x5  }
0x77: {  	[tilespmem:s16+$0x1C6F0] =	vst v0;
	v0 =	vld [tilespmem:s16+$0x1A710]  }
0x78: {  	v1 =	vld.idx.msk [tilespmem:v2+s3+$0x0], $0xffff  }
.Ltmp1:
0x79: {  	(pc) =	sbr.rel @p0 .LBB2_5-.Ltmp1, $2  }
0x7a: {  	_ =	sdelay $0x2  }
0x7b: {  	s18 =	sshra.s32 s17, $0x2;
	s17 =	sadd.s32 $0x200, s17  }
0x7c: {  	_ =	sdelay $0x1  }
0x7d: {  	v2 =	vld [tilespmem:s18+$0x1A6A0]  }
0x7e: {  	[tilespmem:s16+$0x1C700] =	vst v1  }
0x7f: {  	v0 =	vld.idx.msk [tilespmem:v0+s3+$0x0], $0xffff;
	_ =	sdelay $0x3  }
0x80: {  	v1 =	vld [tilespmem:s18+$0x1A6B0]  }
0x81: {  	[tilespmem:s16+$0x1C710] =	vst v0  }
0x82: {  	v0 =	vld.idx.msk [tilespmem:v2+s3+$0x0], $0xffff;
	_ =	sdelay $0x3  }
0x83: {  	v58 =	vld [tilespmem:s18+$0x1A6C0]  }
0x84: {  	[tilespmem:s18+$0x1C6A0] =	vst v0  }
0x85: {  	v1 =	vld.idx.msk [tilespmem:v1+s3+$0x0], $0xffff;
	_ =	sdelay $0x3  }
0x86: {  	v59 =	vld [tilespmem:s18+$0x1A6D0]  }
0x87: {  	[tilespmem:s18+$0x1C6B0] =	vst v1  }
0x88: {  	v0 =	vld.idx.msk [tilespmem:v58+s3+$0x0], $0xffff;
	_ =	sdelay $0x3  }
0x89: {  	v60 =	vld [tilespmem:s18+$0x1A6E0]  }
0x8a: {  	[tilespmem:s18+$0x1C6C0] =	vst v0  }
0x8b: {  	v1 =	vld.idx.msk [tilespmem:v59+s3+$0x0], $0xffff;
	_ =	sdelay $0x3  }
0x8c: {  	v61 =	vld [tilespmem:s18+$0x1A6F0]  }
0x8d: {  	[tilespmem:s18+$0x1C6D0] =	vst v1  }
0x8e: {  	v0 =	vld.idx.msk [tilespmem:v60+s3+$0x0], $0xffff;
	_ =	sdelay $0x3  }
0x8f: {  	v62 =	vld [tilespmem:s18+$0x1A700]  }
0x90: {  	[tilespmem:s18+$0x1C6E0] =	vst v0  }
0x91: {  	v1 =	vld.idx.msk [tilespmem:v61+s3+$0x0], $0xffff;
	_ =	sdelay $0x3  }
0x92: {  	v63 =	vld [tilespmem:s18+$0x1A710]  }
0x93: {  	[tilespmem:s18+$0x1C6F0] =	vst v1  }
0x94: {  	v0 =	vld.idx.msk [tilespmem:v62+s3+$0x0], $0xffff;
	_ =	sdelay $0x4  }
0x95: {  	[tilespmem:s18+$0x1C700] =	vst v0  }
0x96: {  	v0 =	vld.idx.msk [tilespmem:v63+s3+$0x0], $0xffff;
	_ =	sdelay $0x2  }
0x97: {  	s14 =	sadd.s32 $0x1, s14  }
0x98: {  	p0 =	sne.s32 s14, $0x1A  }
.Ltmp2:
0x99: {  	s15 =	sadd.s32 s15, s7;
	[tilespmem:s18+$0x1C710] =	vst v0;
	(pc) =	sbr.rel @p0 .LBB2_2-.Ltmp2, $4  }
0x9a: {  	[hbm4b:s15+s3] =	stream.linear.scatter [tilespmem:s10], [sflag:$0x2], $0x2000, $0x38;
	[tilespmem:$0x1E6A0] =	vst v63  }
0x9b: {  	_ =	swait.ge [sflag:s11], $0x2000  }
0x9c: {  	[sflag:s11] =	ssyncset.done $0x0  }
0x9d: {  	[sflag:s11] =	ssyncadd.s32 $0xFFFFE000  }
0x9e: {  	s12 =	sadd.s32 $0x1, s12  }
0x9f: {  	p0 =	sne.s32 s12, s8  }
.Ltmp3:
0xa0: {  	_ = 	snop;
	(pc) =	sbr.rel @p0 .LBB2_1-.Ltmp3, $1  }
0xa1: {  	_ =	sdelay $0x3  }
0xa2: {  	_ =	sfence.sel $0x180000  }
0xa3: {  	[bflag:$0x0] =	sbarrier.arrive $0xFFFF  }
0xa4: {  	p0 =	sne.s32 s2, $0x0;
	_ =	strace $0x90000047  }
0xa5: {  	s0 =	sadd.s32 @!p0 $0x100000, s0;
	[bflag:$0x2] =	sbarrier.arrive $0xFFFF  }
0xa6: {  	[sflag:s0] =	ssyncadd.tile.s32 @!p0 $0x1;
	_ =	shalt  }
.Lfunc_end2:
_tile_overlayer_lowered:
.L_overlay_start_2:
0xa7: {  	(tag) =	ssettag $0x2  }
0xa8: {  	s0 =	rddreg [dreg:$0x0];
	s2 =	stileid.u32  }
0xa9: {  	s1 =	rddreg [dreg:$0x1];
	p0 =	sne.s32 s2, $0x0  }
0xaa: {  	s3 =	rddreg [dreg:$0x2];
	[bflag:$0x3] =	sbarrier.arrive $0xFFFF;
	s2 =	simm.s32 @!p0 $0x1C02  }
0xab: {  	[timem:s3], [sflag:s2] =	dma.local @!p0 [hbm:s0], s1  }
0xac: {  	s0 =	simm.s32 @!p0 $0x2  }
0xad: {  	_ =	swait.ge @!p0 [sflag:s0], s1  }
0xae: {  	s1 =	ssub.s32 @!p0 $0x0, s1;
	[sflag:s0] =	ssyncset.done @!p0 $0x0  }
0xaf: {  	[sflag:s0] =	ssyncadd.s32 @!p0 s1  }
0xb0: {  	[bflag:$0x3] =	sbarrier.arrive $0xFFFF  }
0xb1: {  	_ =	shalt  }

</sc_bundles>
